<compile_context>
chip_gen: v7x
topology: tpu7x:2x2x1
jax: 0.10.2.dev20260603
libtpu: 0.0.44.dev20260713+nightly
codegen_flags: <defaults>
</compile_context>

<pallas_src>
import jax
import jax.numpy as jnp
from jax import lax
from jax.experimental import pallas as pl
from jax.experimental.pallas import tpu as pltpu
from jax.experimental.pallas import tpu_sc as plsc

NUM_POSES = 100000
BATCH = 4096

_INFO = plsc.get_sparse_core_info()
_NC = _INFO.num_cores
_NS = _INFO.num_subcores
_NW = _NC * _NS
_BPW = BATCH // _NW
_L = 16


def _gather_body(idx_hbm, flat_hbm, qo_hbm, to_hbm,
                 iv, qcols, tcols, sem):
    wid = lax.axis_index("s") * _NC + lax.axis_index("c")
    base = wid * _BPW
    pltpu.sync_copy(idx_hbm.at[pl.ds(base, _BPW)], iv)

    qcps = [pltpu.async_copy(
        flat_hbm.at[pl.ds(c * NUM_POSES, NUM_POSES)].at[iv],
        qcols.at[pl.ds(c * _BPW, _BPW)], sem) for c in range(4)]
    tcps = [pltpu.async_copy(
        flat_hbm.at[pl.ds((4 + c) * NUM_POSES, NUM_POSES)].at[iv],
        tcols.at[pl.ds(c * _BPW, _BPW)], sem) for c in range(3)]
    for cp in qcps:
        cp.wait()
    pltpu.sync_copy(qcols, qo_hbm.at[pl.ds(wid * (_BPW * 4), _BPW * 4)])
    for cp in tcps:
        cp.wait()
    pltpu.sync_copy(tcols, to_hbm.at[pl.ds(wid * (_BPW * 4), _BPW * 3)])


@jax.jit
def kernel(camera_pose_indices, q_pointcloud_camera_table, t_pointcloud_camera_table):
    idx = camera_pose_indices.astype(jnp.int32)
    gather = pl.kernel(
        _gather_body,
        out_type=(
            jax.ShapeDtypeStruct((4 * BATCH,), jnp.float32),
            jax.ShapeDtypeStruct((4 * BATCH,), jnp.float32),
        ),
        mesh=plsc.VectorSubcoreMesh(core_axis_name="c", subcore_axis_name="s"),
        scratch_types=[
            pltpu.VMEM((_BPW,), jnp.int32),
            pltpu.VMEM((_BPW * 4,), jnp.float32),
            pltpu.VMEM((_BPW * 3,), jnp.float32),
            pltpu.SemaphoreType.DMA,
        ],
        compiler_params=pltpu.CompilerParams(needs_layout_passes=False,
                                             skip_device_barrier=True),
    )
    flat = jnp.concatenate([q_pointcloud_camera_table.T,
                            t_pointcloud_camera_table.T], axis=0).reshape(-1)
    qo, to = gather(idx, flat)
    q = jnp.transpose(qo.reshape(_NW, 4, _BPW), (0, 2, 1)).reshape(BATCH, 4)
    t = jnp.transpose(to.reshape(_NW, 4, _BPW), (0, 2, 1)).reshape(BATCH, 4)[:, :3]
    return q, t

# --- scband reference (transcript-rebuilt; emitter-appended) ---
"""Pipeline reference for scband-camera-poses-9311489097768 (READ-ONLY COPY).

The authoritative reference and input builder live on the scoring server;
editing this copy changes nothing except your own understanding.
"""

import jax, jax.numpy as jnp
import numpy as np

NUM_POSES = 100000
BATCH = 4096


def setup_inputs(seed: int = 0) -> dict:
    key = jax.random.key(seed)
    k_idx, k_q, k_t = jax.random.split(key, 3)
    camera_pose_indices = jax.random.randint(k_idx, (BATCH,), 0, NUM_POSES, dtype=jnp.int64 if jax.config.jax_enable_x64 else jnp.int32)
    # learned parameter tables: quaternions [N,4] (normalized) and translations [N,3]
    q_table = jax.random.normal(k_q, (NUM_POSES, 4), dtype=jnp.float32)
    q_table = q_table / jnp.linalg.norm(q_table, axis=-1, keepdims=True)
    t_table = jax.random.normal(k_t, (NUM_POSES, 3), dtype=jnp.float32)
    return {
        "camera_pose_indices": camera_pose_indices,
        "q_pointcloud_camera_table": q_table,
        "t_pointcloud_camera_table": t_table,
    }


def reference(camera_pose_indices, q_pointcloud_camera_table, t_pointcloud_camera_table):
    # Faithful translation of CameraPoses.forward: row-gather from both tables.
    q_pointcloud_camera = jnp.take(q_pointcloud_camera_table, camera_pose_indices, axis=0)
    t_pointcloud_camera = jnp.take(t_pointcloud_camera_table, camera_pose_indices, axis=0)
    return (q_pointcloud_camera, t_pointcloud_camera)

if __name__ == "__main__":
    import jax
    _d = setup_inputs()
    print(jax.jit(kernel)(*tuple(_d.values())))

</pallas_src>

<mosaic_0001>
#map = affine_map<(d0, d1) -> (0)>
module attributes {stable_mosaic.version = 14 : i64} {
  func.func @_gather_body(%arg0: i32, %arg1: i32, %arg2: memref<4096xi32, #tpu.memory_space<hbm>>, %arg3: memref<700000xf32, #tpu.memory_space<hbm>>, %arg4: memref<16384xf32, #tpu.memory_space<hbm>>, %arg5: memref<16384xf32, #tpu.memory_space<hbm>>, %arg6: memref<128xi32, #tpu.memory_space<vmem>>, %arg7: memref<512xf32, #tpu.memory_space<vmem>>, %arg8: memref<384xf32, #tpu.memory_space<vmem>>, %arg9: memref<!tpu.dma_semaphore, #tpu.memory_space<semaphore_mem>>) attributes {dimension_semantics = [#tpu.dimension_semantics<core_parallel>, #tpu.dimension_semantics<subcore_parallel>], iteration_bounds = array<i64: 2, 16>, scalar_prefetch = 0 : i64, scratch_operands = 4 : i64, tpu.core_type = #tpu.core_type<sc_vector_subcore>, window_params = [{transform_indices = #map}, {transform_indices = #map}, {transform_indices = #map}, {transform_indices = #map}]} {
    %mul3A = arith.constant 2 : i32
    %mul3A_0 = arith.muli %arg1, %mul3A : i32
    %add3A = arith.addi %mul3A_0, %arg0 : i32
    %mul3A_1 = arith.constant 128 : i32
    %mul3A_2 = arith.muli %add3A, %mul3A_1 : i32
    "tpu.region"() ({
      %run_scoped3A = tpu.sem_alloc : memref<!tpu.dma_semaphore, #tpu.memory_space<semaphore_mem>>
      %dma_start3A_89 = tpu.memref_slice %arg2[%mul3A_2] : memref<4096xi32, #tpu.memory_space<hbm>> -> memref<128xi32, #tpu.memory_space<hbm>>
      %dma_start3A_90 = tpu.memref_slice %arg2[%mul3A_2] : memref<4096xi32, #tpu.memory_space<hbm>> -> memref<128xi32, #tpu.memory_space<hbm>>
      tpu.enqueue_dma source(%dma_start3A_90 : memref<128xi32, #tpu.memory_space<hbm>>) target(%arg6 : memref<128xi32, #tpu.memory_space<vmem>>) target_semaphore(%run_scoped3A : memref<!tpu.dma_semaphore, #tpu.memory_space<semaphore_mem>>)
      %dma_wait3A_91 = tpu.memref_slice %arg2[%mul3A_2] : memref<4096xi32, #tpu.memory_space<hbm>> -> memref<128xi32, #tpu.memory_space<hbm>>
      %dma_wait3A_92 = tpu.memref_slice %arg2[%mul3A_2] : memref<4096xi32, #tpu.memory_space<hbm>> -> memref<128xi32, #tpu.memory_space<hbm>>
      tpu.wait_dma2 semaphore(%run_scoped3A : memref<!tpu.dma_semaphore, #tpu.memory_space<semaphore_mem>>) src(%dma_wait3A_92 : memref<128xi32, #tpu.memory_space<hbm>>) dst(%arg6 : memref<128xi32, #tpu.memory_space<vmem>>)
      tpu.yield
    }) : () -> ()
    %dma_start3A = arith.constant 0 : i32
    %dma_start3A_3 = tpu.memref_slice %arg7[%dma_start3A] : memref<512xf32, #tpu.memory_space<vmem>> -> memref<128xf32, #tpu.memory_space<vmem>>
    %dma_start3A_4 = arith.constant 0 : i32
    %dma_start3A_5 = tpu.memref_slice %arg3[%dma_start3A_4] : memref<700000xf32, #tpu.memory_space<hbm>> -> memref<100000xf32, #tpu.memory_space<hbm>>
    %dma_start3A_6 = arith.constant 0 : i32
    %dma_start3A_7 = tpu.memref_slice %dma_start3A_5[%dma_start3A_6] : memref<100000xf32, #tpu.memory_space<hbm>> -> memref<100000xf32, #tpu.memory_space<hbm>>
    tpu.enqueue_indirect_dma source(%dma_start3A_7 : memref<100000xf32, #tpu.memory_space<hbm>>) target(%dma_start3A_3 : memref<128xf32, #tpu.memory_space<vmem>>) offsets(%arg6 : memref<128xi32, #tpu.memory_space<vmem>>) semaphore(%arg9 : memref<!tpu.dma_semaphore, #tpu.memory_space<semaphore_mem>>)
    %dma_start3A_8 = arith.constant 128 : i32
    %dma_start3A_9 = tpu.memref_slice %arg7[%dma_start3A_8] : memref<512xf32, #tpu.memory_space<vmem>> -> memref<128xf32, #tpu.memory_space<vmem>>
    %dma_start3A_10 = arith.constant 100000 : i32
    %dma_start3A_11 = tpu.memref_slice %arg3[%dma_start3A_10] : memref<700000xf32, #tpu.memory_space<hbm>> -> memref<100000xf32, #tpu.memory_space<hbm>>
    %dma_start3A_12 = arith.constant 0 : i32
    %dma_start3A_13 = tpu.memref_slice %dma_start3A_11[%dma_start3A_12] : memref<100000xf32, #tpu.memory_space<hbm>> -> memref<100000xf32, #tpu.memory_space<hbm>>
    tpu.enqueue_indirect_dma source(%dma_start3A_13 : memref<100000xf32, #tpu.memory_space<hbm>>) target(%dma_start3A_9 : memref<128xf32, #tpu.memory_space<vmem>>) offsets(%arg6 : memref<128xi32, #tpu.memory_space<vmem>>) semaphore(%arg9 : memref<!tpu.dma_semaphore, #tpu.memory_space<semaphore_mem>>)
    %dma_start3A_14 = arith.constant 256 : i32
    %dma_start3A_15 = tpu.memref_slice %arg7[%dma_start3A_14] : memref<512xf32, #tpu.memory_space<vmem>> -> memref<128xf32, #tpu.memory_space<vmem>>
    %dma_start3A_16 = arith.constant 200000 : i32
    %dma_start3A_17 = tpu.memref_slice %arg3[%dma_start3A_16] : memref<700000xf32, #tpu.memory_space<hbm>> -> memref<100000xf32, #tpu.memory_space<hbm>>
    %dma_start3A_18 = arith.constant 0 : i32
    %dma_start3A_19 = tpu.memref_slice %dma_start3A_17[%dma_start3A_18] : memref<100000xf32, #tpu.memory_space<hbm>> -> memref<100000xf32, #tpu.memory_space<hbm>>
    tpu.enqueue_indirect_dma source(%dma_start3A_19 : memref<100000xf32, #tpu.memory_space<hbm>>) target(%dma_start3A_15 : memref<128xf32, #tpu.memory_space<vmem>>) offsets(%arg6 : memref<128xi32, #tpu.memory_space<vmem>>) semaphore(%arg9 : memref<!tpu.dma_semaphore, #tpu.memory_space<semaphore_mem>>)
    %dma_start3A_20 = arith.constant 384 : i32
    %dma_start3A_21 = tpu.memref_slice %arg7[%dma_start3A_20] : memref<512xf32, #tpu.memory_space<vmem>> -> memref<128xf32, #tpu.memory_space<vmem>>
    %dma_start3A_22 = arith.constant 300000 : i32
    %dma_start3A_23 = tpu.memref_slice %arg3[%dma_start3A_22] : memref<700000xf32, #tpu.memory_space<hbm>> -> memref<100000xf32, #tpu.memory_space<hbm>>
    %dma_start3A_24 = arith.constant 0 : i32
    %dma_start3A_25 = tpu.memref_slice %dma_start3A_23[%dma_start3A_24] : memref<100000xf32, #tpu.memory_space<hbm>> -> memref<100000xf32, #tpu.memory_space<hbm>>
    tpu.enqueue_indirect_dma source(%dma_start3A_25 : memref<100000xf32, #tpu.memory_space<hbm>>) target(%dma_start3A_21 : memref<128xf32, #tpu.memory_space<vmem>>) offsets(%arg6 : memref<128xi32, #tpu.memory_space<vmem>>) semaphore(%arg9 : memref<!tpu.dma_semaphore, #tpu.memory_space<semaphore_mem>>)
    %dma_start3A_26 = arith.constant 0 : i32
    %dma_start3A_27 = tpu.memref_slice %arg8[%dma_start3A_26] : memref<384xf32, #tpu.memory_space<vmem>> -> memref<128xf32, #tpu.memory_space<vmem>>
    %dma_start3A_28 = arith.constant 400000 : i32
    %dma_start3A_29 = tpu.memref_slice %arg3[%dma_start3A_28] : memref<700000xf32, #tpu.memory_space<hbm>> -> memref<100000xf32, #tpu.memory_space<hbm>>
    %dma_start3A_30 = arith.constant 0 : i32
    %dma_start3A_31 = tpu.memref_slice %dma_start3A_29[%dma_start3A_30] : memref<100000xf32, #tpu.memory_space<hbm>> -> memref<100000xf32, #tpu.memory_space<hbm>>
    tpu.enqueue_indirect_dma source(%dma_start3A_31 : memref<100000xf32, #tpu.memory_space<hbm>>) target(%dma_start3A_27 : memref<128xf32, #tpu.memory_space<vmem>>) offsets(%arg6 : memref<128xi32, #tpu.memory_space<vmem>>) semaphore(%arg9 : memref<!tpu.dma_semaphore, #tpu.memory_space<semaphore_mem>>)
    %dma_start3A_32 = arith.constant 128 : i32
    %dma_start3A_33 = tpu.memref_slice %arg8[%dma_start3A_32] : memref<384xf32, #tpu.memory_space<vmem>> -> memref<128xf32, #tpu.memory_space<vmem>>
    %dma_start3A_34 = arith.constant 500000 : i32
    %dma_start3A_35 = tpu.memref_slice %arg3[%dma_start3A_34] : memref<700000xf32, #tpu.memory_space<hbm>> -> memref<100000xf32, #tpu.memory_space<hbm>>
    %dma_start3A_36 = arith.constant 0 : i32
    %dma_start3A_37 = tpu.memref_slice %dma_start3A_35[%dma_start3A_36] : memref<100000xf32, #tpu.memory_space<hbm>> -> memref<100000xf32, #tpu.memory_space<hbm>>
    tpu.enqueue_indirect_dma source(%dma_start3A_37 : memref<100000xf32, #tpu.memory_space<hbm>>) target(%dma_start3A_33 : memref<128xf32, #tpu.memory_space<vmem>>) offsets(%arg6 : memref<128xi32, #tpu.memory_space<vmem>>) semaphore(%arg9 : memref<!tpu.dma_semaphore, #tpu.memory_space<semaphore_mem>>)
    %dma_start3A_38 = arith.constant 256 : i32
    %dma_start3A_39 = tpu.memref_slice %arg8[%dma_start3A_38] : memref<384xf32, #tpu.memory_space<vmem>> -> memref<128xf32, #tpu.memory_space<vmem>>
    %dma_start3A_40 = arith.constant 600000 : i32
    %dma_start3A_41 = tpu.memref_slice %arg3[%dma_start3A_40] : memref<700000xf32, #tpu.memory_space<hbm>> -> memref<100000xf32, #tpu.memory_space<hbm>>
    %dma_start3A_42 = arith.constant 0 : i32
    %dma_start3A_43 = tpu.memref_slice %dma_start3A_41[%dma_start3A_42] : memref<100000xf32, #tpu.memory_space<hbm>> -> memref<100000xf32, #tpu.memory_space<hbm>>
    tpu.enqueue_indirect_dma source(%dma_start3A_43 : memref<100000xf32, #tpu.memory_space<hbm>>) target(%dma_start3A_39 : memref<128xf32, #tpu.memory_space<vmem>>) offsets(%arg6 : memref<128xi32, #tpu.memory_space<vmem>>) semaphore(%arg9 : memref<!tpu.dma_semaphore, #tpu.memory_space<semaphore_mem>>)
    %dma_wait3A = arith.constant 0 : i32
    %dma_wait3A_44 = tpu.memref_slice %arg7[%dma_wait3A] : memref<512xf32, #tpu.memory_space<vmem>> -> memref<128xf32, #tpu.memory_space<vmem>>
    %dma_wait3A_45 = arith.constant 0 : i32
    %dma_wait3A_46 = tpu.memref_slice %arg3[%dma_wait3A_45] : memref<700000xf32, #tpu.memory_space<hbm>> -> memref<100000xf32, #tpu.memory_space<hbm>>
    %dma_wait3A_47 = arith.constant 0 : i32
    %dma_wait3A_48 = tpu.memref_slice %dma_wait3A_46[%dma_wait3A_47] : memref<100000xf32, #tpu.memory_space<hbm>> -> memref<100000xf32, #tpu.memory_space<hbm>>
    tpu.wait_indirect_dma semaphore(%arg9 : memref<!tpu.dma_semaphore, #tpu.memory_space<semaphore_mem>>) src(%dma_wait3A_48 : memref<100000xf32, #tpu.memory_space<hbm>>) dst(%dma_wait3A_44 : memref<128xf32, #tpu.memory_space<vmem>>)
    %dma_wait3A_49 = arith.constant 128 : i32
    %dma_wait3A_50 = tpu.memref_slice %arg7[%dma_wait3A_49] : memref<512xf32, #tpu.memory_space<vmem>> -> memref<128xf32, #tpu.memory_space<vmem>>
    %dma_wait3A_51 = arith.constant 100000 : i32
    %dma_wait3A_52 = tpu.memref_slice %arg3[%dma_wait3A_51] : memref<700000xf32, #tpu.memory_space<hbm>> -> memref<100000xf32, #tpu.memory_space<hbm>>
    %dma_wait3A_53 = arith.constant 0 : i32
    %dma_wait3A_54 = tpu.memref_slice %dma_wait3A_52[%dma_wait3A_53] : memref<100000xf32, #tpu.memory_space<hbm>> -> memref<100000xf32, #tpu.memory_space<hbm>>
    tpu.wait_indirect_dma semaphore(%arg9 : memref<!tpu.dma_semaphore, #tpu.memory_space<semaphore_mem>>) src(%dma_wait3A_54 : memref<100000xf32, #tpu.memory_space<hbm>>) dst(%dma_wait3A_50 : memref<128xf32, #tpu.memory_space<vmem>>)
    %dma_wait3A_55 = arith.constant 256 : i32
    %dma_wait3A_56 = tpu.memref_slice %arg7[%dma_wait3A_55] : memref<512xf32, #tpu.memory_space<vmem>> -> memref<128xf32, #tpu.memory_space<vmem>>
    %dma_wait3A_57 = arith.constant 200000 : i32
    %dma_wait3A_58 = tpu.memref_slice %arg3[%dma_wait3A_57] : memref<700000xf32, #tpu.memory_space<hbm>> -> memref<100000xf32, #tpu.memory_space<hbm>>
    %dma_wait3A_59 = arith.constant 0 : i32
    %dma_wait3A_60 = tpu.memref_slice %dma_wait3A_58[%dma_wait3A_59] : memref<100000xf32, #tpu.memory_space<hbm>> -> memref<100000xf32, #tpu.memory_space<hbm>>
    tpu.wait_indirect_dma semaphore(%arg9 : memref<!tpu.dma_semaphore, #tpu.memory_space<semaphore_mem>>) src(%dma_wait3A_60 : memref<100000xf32, #tpu.memory_space<hbm>>) dst(%dma_wait3A_56 : memref<128xf32, #tpu.memory_space<vmem>>)
    %dma_wait3A_61 = arith.constant 384 : i32
    %dma_wait3A_62 = tpu.memref_slice %arg7[%dma_wait3A_61] : memref<512xf32, #tpu.memory_space<vmem>> -> memref<128xf32, #tpu.memory_space<vmem>>
    %dma_wait3A_63 = arith.constant 300000 : i32
    %dma_wait3A_64 = tpu.memref_slice %arg3[%dma_wait3A_63] : memref<700000xf32, #tpu.memory_space<hbm>> -> memref<100000xf32, #tpu.memory_space<hbm>>
    %dma_wait3A_65 = arith.constant 0 : i32
    %dma_wait3A_66 = tpu.memref_slice %dma_wait3A_64[%dma_wait3A_65] : memref<100000xf32, #tpu.memory_space<hbm>> -> memref<100000xf32, #tpu.memory_space<hbm>>
    tpu.wait_indirect_dma semaphore(%arg9 : memref<!tpu.dma_semaphore, #tpu.memory_space<semaphore_mem>>) src(%dma_wait3A_66 : memref<100000xf32, #tpu.memory_space<hbm>>) dst(%dma_wait3A_62 : memref<128xf32, #tpu.memory_space<vmem>>)
    %mul3A_67 = arith.constant 512 : i32
    %mul3A_68 = arith.muli %add3A, %mul3A_67 : i32
    "tpu.region"() ({
      %run_scoped3A = tpu.sem_alloc : memref<!tpu.dma_semaphore, #tpu.memory_space<semaphore_mem>>
      %dma_start3A_89 = tpu.memref_slice %arg4[%mul3A_68] : memref<16384xf32, #tpu.memory_space<hbm>> -> memref<512xf32, #tpu.memory_space<hbm>>
      %dma_start3A_90 = tpu.memref_slice %arg4[%mul3A_68] : memref<16384xf32, #tpu.memory_space<hbm>> -> memref<512xf32, #tpu.memory_space<hbm>>
      tpu.enqueue_dma source(%arg7 : memref<512xf32, #tpu.memory_space<vmem>>) target(%dma_start3A_90 : memref<512xf32, #tpu.memory_space<hbm>>) target_semaphore(%run_scoped3A : memref<!tpu.dma_semaphore, #tpu.memory_space<semaphore_mem>>)
      %dma_wait3A_91 = tpu.memref_slice %arg4[%mul3A_68] : memref<16384xf32, #tpu.memory_space<hbm>> -> memref<512xf32, #tpu.memory_space<hbm>>
      %dma_wait3A_92 = tpu.memref_slice %arg4[%mul3A_68] : memref<16384xf32, #tpu.memory_space<hbm>> -> memref<512xf32, #tpu.memory_space<hbm>>
      tpu.wait_dma2 semaphore(%run_scoped3A : memref<!tpu.dma_semaphore, #tpu.memory_space<semaphore_mem>>) src(%arg7 : memref<512xf32, #tpu.memory_space<vmem>>) dst(%dma_wait3A_92 : memref<512xf32, #tpu.memory_space<hbm>>)
      tpu.yield
    }) : () -> ()
    %dma_wait3A_69 = arith.constant 0 : i32
    %dma_wait3A_70 = tpu.memref_slice %arg8[%dma_wait3A_69] : memref<384xf32, #tpu.memory_space<vmem>> -> memref<128xf32, #tpu.memory_space<vmem>>
    %dma_wait3A_71 = arith.constant 400000 : i32
    %dma_wait3A_72 = tpu.memref_slice %arg3[%dma_wait3A_71] : memref<700000xf32, #tpu.memory_space<hbm>> -> memref<100000xf32, #tpu.memory_space<hbm>>
    %dma_wait3A_73 = arith.constant 0 : i32
    %dma_wait3A_74 = tpu.memref_slice %dma_wait3A_72[%dma_wait3A_73] : memref<100000xf32, #tpu.memory_space<hbm>> -> memref<100000xf32, #tpu.memory_space<hbm>>
    tpu.wait_indirect_dma semaphore(%arg9 : memref<!tpu.dma_semaphore, #tpu.memory_space<semaphore_mem>>) src(%dma_wait3A_74 : memref<100000xf32, #tpu.memory_space<hbm>>) dst(%dma_wait3A_70 : memref<128xf32, #tpu.memory_space<vmem>>)
    %dma_wait3A_75 = arith.constant 128 : i32
    %dma_wait3A_76 = tpu.memref_slice %arg8[%dma_wait3A_75] : memref<384xf32, #tpu.memory_space<vmem>> -> memref<128xf32, #tpu.memory_space<vmem>>
    %dma_wait3A_77 = arith.constant 500000 : i32
    %dma_wait3A_78 = tpu.memref_slice %arg3[%dma_wait3A_77] : memref<700000xf32, #tpu.memory_space<hbm>> -> memref<100000xf32, #tpu.memory_space<hbm>>
    %dma_wait3A_79 = arith.constant 0 : i32
    %dma_wait3A_80 = tpu.memref_slice %dma_wait3A_78[%dma_wait3A_79] : memref<100000xf32, #tpu.memory_space<hbm>> -> memref<100000xf32, #tpu.memory_space<hbm>>
    tpu.wait_indirect_dma semaphore(%arg9 : memref<!tpu.dma_semaphore, #tpu.memory_space<semaphore_mem>>) src(%dma_wait3A_80 : memref<100000xf32, #tpu.memory_space<hbm>>) dst(%dma_wait3A_76 : memref<128xf32, #tpu.memory_space<vmem>>)
    %dma_wait3A_81 = arith.constant 256 : i32
    %dma_wait3A_82 = tpu.memref_slice %arg8[%dma_wait3A_81] : memref<384xf32, #tpu.memory_space<vmem>> -> memref<128xf32, #tpu.memory_space<vmem>>
    %dma_wait3A_83 = arith.constant 600000 : i32
    %dma_wait3A_84 = tpu.memref_slice %arg3[%dma_wait3A_83] : memref<700000xf32, #tpu.memory_space<hbm>> -> memref<100000xf32, #tpu.memory_space<hbm>>
    %dma_wait3A_85 = arith.constant 0 : i32
    %dma_wait3A_86 = tpu.memref_slice %dma_wait3A_84[%dma_wait3A_85] : memref<100000xf32, #tpu.memory_space<hbm>> -> memref<100000xf32, #tpu.memory_space<hbm>>
    tpu.wait_indirect_dma semaphore(%arg9 : memref<!tpu.dma_semaphore, #tpu.memory_space<semaphore_mem>>) src(%dma_wait3A_86 : memref<100000xf32, #tpu.memory_space<hbm>>) dst(%dma_wait3A_82 : memref<128xf32, #tpu.memory_space<vmem>>)
    %mul3A_87 = arith.constant 512 : i32
    %mul3A_88 = arith.muli %add3A, %mul3A_87 : i32
    "tpu.region"() ({
      %run_scoped3A = tpu.sem_alloc : memref<!tpu.dma_semaphore, #tpu.memory_space<semaphore_mem>>
      %dma_start3A_89 = tpu.memref_slice %arg5[%mul3A_88] : memref<16384xf32, #tpu.memory_space<hbm>> -> memref<384xf32, #tpu.memory_space<hbm>>
      %dma_start3A_90 = tpu.memref_slice %arg5[%mul3A_88] : memref<16384xf32, #tpu.memory_space<hbm>> -> memref<384xf32, #tpu.memory_space<hbm>>
      tpu.enqueue_dma source(%arg8 : memref<384xf32, #tpu.memory_space<vmem>>) target(%dma_start3A_90 : memref<384xf32, #tpu.memory_space<hbm>>) target_semaphore(%run_scoped3A : memref<!tpu.dma_semaphore, #tpu.memory_space<semaphore_mem>>)
      %dma_wait3A_91 = tpu.memref_slice %arg5[%mul3A_88] : memref<16384xf32, #tpu.memory_space<hbm>> -> memref<384xf32, #tpu.memory_space<hbm>>
      %dma_wait3A_92 = tpu.memref_slice %arg5[%mul3A_88] : memref<16384xf32, #tpu.memory_space<hbm>> -> memref<384xf32, #tpu.memory_space<hbm>>
      tpu.wait_dma2 semaphore(%run_scoped3A : memref<!tpu.dma_semaphore, #tpu.memory_space<semaphore_mem>>) src(%arg8 : memref<384xf32, #tpu.memory_space<vmem>>) dst(%dma_wait3A_92 : memref<384xf32, #tpu.memory_space<hbm>>)
      tpu.yield
    }) : () -> ()
    return
  }
}

</mosaic_0001>

<sc_bundles>
// kernel: kernel.3.cloned.1.call-start
scs
__scs_entry_jumppad:
0x0: {  	(pc) =	sbr.rel $0x88, $3  }
0x1: {  	(tag) =	ssettag $0x0;
	lr =	simm.s32 $0x1  }
0x2: {  	[smem:$0x3F9E] =	sst lr;
	_ =	strace $0xD0000000  }
0x3: {  	_ = 	snop  }
0x4: {  	_ = 	snop  }
0x5: {  	_ = 	snop  }
0x6: {  	_ = 	snop  }
0x7: {  	_ = 	snop  }
__scs_overlays_trampoline_lowered:
0x8: {  	[smem:$0x3FAD] =	sst s0  }
0x9: {  	[smem:$0x3FAE] =	sst s1  }
0xa: {  	[smem:$0x3FAF] =	sst s2  }
0xb: {  	[smem:$0x3FB0] =	sst s3  }
0xc: {  	[smem:$0x3FB1] =	sst s4  }
0xd: {  	[smem:$0x3FB2] =	sst s5  }
0xe: {  	[smem:$0x3FB3] =	sst s6  }
0xf: {  	[smem:$0x3FB4] =	sst s7  }
0x10: {  	[smem:$0x3FB5] =	sst s8  }
0x11: {  	[smem:$0x3FB6] =	sst s9;
	s0 =	simm.s32 @!p0 $0x0  }
0x12: {  	s1 =	sld [smem:$0x3F9C];
	s0 =	simm.s32 @p0 $0x1  }
0x13: {  	[smem:$0x3FB7] =	sst s0;
	s0 =	simm.s32 @!p1 $0x0  }
0x14: {  	s2 =	sld [smem:$0x3F9B];
	s0 =	simm.s32 @p1 $0x1  }
0x15: {  	[smem:$0x3FB8] =	sst s0;
	s0 =	simm.s32 @!p2 $0x0  }
0x16: {  	s3 =	sld [smem:$0x3FDB];
	s0 =	simm.s32 @p2 $0x1  }
0x17: {  	s4 =	simm.s32 $0x1BF5;
	[smem:$0x3FBA] =	sst s0  }
0x18: {  	s0 =	sld [smem:$0x3F9D];
	_ =	swait.ge [sflag:s4], $0x0  }
0x19: {  	s7 =	sld [smem:$0x3F9E]  }
0x1a: {  	s8 =	sadd.s32 $0xFFFFE003, lr  }
0x1b: {  	s9 =	sadd.s32 $0xFFFFFEF7, lr;
	s5 =	simm.s32 $0xFFFFFFFF;
	p2 =	slt.u32 s8, $0xFFFFF086  }
0x1c: {  	p1 =	slt.u32 s9, $0xF7A;
	s5 =	simm.s32 @!p2 $0x0  }
0x1d: {  	s5 =	simm.s32 @p1 $0x1;
	p0 =	seq.s32 s7, s2  }
0x1e: {  	s7 =	smul.u32 @!p0 $0xF7A, s2;
	p2 =	seq.s32 @!p0 s5, $0x0  }
0x1f: {  	s9 =	smul.u32 $0xF7A, s1;
	s8 =	simm.s32 @!p0 $0x1BF5;
	p2 =	por !p2, p0  }
0x20: {  	[sflag:s8] =	ssyncset.s32 @!p0 $0xFFFFF086;
	s6 =	sadd.s32 @!p0 s3, s7;
	s7 =	simm.s32 @!p0 $0x108  }
0x21: {  	s3 =	sadd.s32 s3, s9;
	s6 =	sadd.s32 @!p0 $0x88, s6;
	s7 =	simm.s32 @p2 $0x1082  }
0x22: {  	[simem:s7], [sflag:s8] =	dma.local @!p0 [hbm:s6], $0xF7A  }
0x23: {  	s9 =	sor.u32 $0xD0000000, s2;
	s6 =	simm.s32 $0x108;
	_ =	swait.ge @!p0 [sflag:s8], $0x0  }
0x24: {  	s3 =	sadd.s32 $0x88, s3;
	s6 =	simm.s32 @!p1 $0x1082;
	[sflag:s4] =	ssyncset.s32 $0xFFFFF086  }
0x25: {  	[simem:s6], [sflag:s4] =	dma.local [hbm:s3], $0xF7A  }
0x26: {  	[smem:$0x3F9E] =	sst s1;
	(tag) =	ssettag s2;
	_ =	strace s9  }
0x27: {  	s1 =	sld [smem:$0x3FAE]  }
0x28: {  	s2 =	sld [smem:$0x3FAF]  }
0x29: {  	s4 =	sld [smem:$0x3FB1]  }
0x2a: {  	p0 =	seq.s32 s5, $0x0;
	s5 =	sld [smem:$0x3FB2]  }
0x2b: {  	s6 =	sld [smem:$0x3FB3]  }
0x2c: {  	s7 =	sld [smem:$0x3FB4]  }
0x2d: {  	s3 =	simm.s32 $0x108;
	s8 =	sld [smem:$0x3FB5]  }
0x2e: {  	s3 =	simm.s32 @!p0 $0x1082;
	s9 =	sld [smem:$0x3FB6]  }
0x2f: {  	lr =	sadd.s32 s0, s3;
	s0 =	sld [smem:$0x3FAD]  }
0x30: {  	s3 =	sld [smem:$0x3FB0]  }
0x31: {  	[smem:$0x3FB9] =	sst s10  }
0x32: {  	s10 =	sld [smem:$0x3FB7];
	_ =	sdelay $0x3  }
0x33: {  	p0 =	seq.s32 s10, $0x1;
	s10 =	sld [smem:$0x3FB9];
	_ =	sdelay $0x3  }
0x34: {  	[smem:$0x3FB9] =	sst s10  }
0x35: {  	s10 =	sld [smem:$0x3FB8];
	_ =	sdelay $0x3  }
0x36: {  	p1 =	seq.s32 s10, $0x1;
	s10 =	sld [smem:$0x3FB9];
	_ =	sdelay $0x3  }
0x37: {  	[smem:$0x3FB9] =	sst s10  }
0x38: {  	s10 =	sld [smem:$0x3FBA]  }
0x39: {  	_ = 	snop;
	(pc) =	sbr.ind lr, $3  }
0x3a: {  	_ = 	snop  }
0x3b: {  	_ = 	snop  }
0x3c: {  	p2 =	seq.s32 s10, $0x1;
	s10 =	sld [smem:$0x3FB9]  }
0x3d: {  	_ =	shalt  }
0x3e: {  	_ =	shalt  }
0x3f: {  	_ =	shalt  }
0x40: {  	_ =	shalt  }
0x41: {  	_ =	shalt  }
0x42: {  	_ =	shalt  }
0x43: {  	_ =	shalt  }
0x44: {  	_ =	shalt  }
0x45: {  	_ =	shalt  }
0x46: {  	_ =	shalt  }
0x47: {  	_ =	shalt  }
0x48: {  	_ =	shalt  }
0x49: {  	_ =	shalt  }
0x4a: {  	_ =	shalt  }
0x4b: {  	_ =	shalt  }
0x4c: {  	_ =	shalt  }
0x4d: {  	_ =	shalt  }
0x4e: {  	_ =	shalt  }
0x4f: {  	_ =	shalt  }
0x50: {  	_ =	shalt  }
0x51: {  	_ =	shalt  }
0x52: {  	_ =	shalt  }
0x53: {  	_ =	shalt  }
0x54: {  	_ =	shalt  }
0x55: {  	_ =	shalt  }
0x56: {  	_ =	shalt  }
0x57: {  	_ =	shalt  }
0x58: {  	_ =	shalt  }
0x59: {  	_ =	shalt  }
0x5a: {  	_ =	shalt  }
0x5b: {  	_ =	shalt  }
0x5c: {  	_ =	shalt  }
0x5d: {  	_ =	shalt  }
0x5e: {  	_ =	shalt  }
0x5f: {  	_ =	shalt  }
0x60: {  	_ =	shalt  }
0x61: {  	_ =	shalt  }
0x62: {  	_ =	shalt  }
0x63: {  	_ =	shalt  }
0x64: {  	_ =	shalt  }
0x65: {  	_ =	shalt  }
0x66: {  	_ =	shalt  }
0x67: {  	_ =	shalt  }
0x68: {  	_ =	shalt  }
0x69: {  	_ =	shalt  }
0x6a: {  	_ =	shalt  }
0x6b: {  	_ =	shalt  }
0x6c: {  	_ =	shalt  }
0x6d: {  	_ =	shalt  }
0x6e: {  	_ =	shalt  }
0x6f: {  	_ =	shalt  }
0x70: {  	_ =	shalt  }
0x71: {  	_ =	shalt  }
0x72: {  	_ =	shalt  }
0x73: {  	_ =	shalt  }
0x74: {  	_ =	shalt  }
0x75: {  	_ =	shalt  }
0x76: {  	_ =	shalt  }
0x77: {  	_ =	shalt  }
0x78: {  	_ =	shalt  }
0x79: {  	_ =	shalt  }
0x7a: {  	_ =	shalt  }
0x7b: {  	_ =	shalt  }
0x7c: {  	_ =	shalt  }
0x7d: {  	_ =	shalt  }
0x7e: {  	_ =	shalt  }
0x7f: {  	_ =	shalt  }
0x80: {  	_ =	shalt  }
0x81: {  	_ =	shalt  }
0x82: {  	_ =	shalt  }
0x83: {  	_ =	shalt  }
0x84: {  	_ =	shalt  }
0x85: {  	_ =	shalt  }
0x86: {  	_ =	shalt  }
0x87: {  	_ =	shalt  }
.Lfunc_end0:
.L_simem_size_0:
called_computation_lowered:
.L_overlay_start_0:
0x88: {  	s2 =	sld [smem:$0x3FD9]  }
0x89: {  	s3 =	sld [smem:$0x3FFE];
	_ =	sdelay $0x1  }
0x8a: {  	s1 =	srdreg.scid  }
0x8b: {  	s0 =	sand.u32 $0x1, s1  }
0x8c: {  	s14 =	sshll.u32 s0, $0xA;
	s2 =	sadd.s32 s3, s2  }
0x8d: {  	s2 =	sadd.s32 s2, s14  }
0x8e: {  	[smem:$0x3FC5] =	sst s2  }
0x8f: {  	_ = 	snop  }
0x90: {  	s2 =	sld [smem:$0x3FD0];
	_ =	sdelay $0x2  }
0x91: {  	s4 =	simm.s32 $0xA;
	s5 =	simm.s32 $0x10;
	s15 =	sld [smem:$0x3FC9]  }
0x92: {  	[smem:s5], [sflag:s4] =	dma.local [hbm:s2], $0x1  }
0x93: {  	_ =	swait.eq [sflag:s4], $0x1  }
0x94: {  	[sflag:s4] =	ssyncset.done $0x0  }
0x95: {  	s16 =	sld [smem:$0x10];
	[sflag:s4] =	ssyncadd.s32 $0xFFFFFFFF  }
0x96: {  	s17 =	sld [smem:$0x11];
	(tm) =	ssettm $0x1  }
0x97: {  	s18 =	sld [smem:$0x3FFB];
	_ =	sdelay $0x3  }
0x98: {  	_ =	strace s18  }
0x99: {  	s5 =	sld [smem:$0x3FFC];
	_ =	sdelay $0x3  }
0x9a: {  	_ =	strace s5  }
0x9b: {  	s5 =	sld [smem:$0x3FFD];
	_ =	sdelay $0x3  }
0x9c: {  	_ =	strace s5  }
0x9d: {  	_ =	strace $0x8FFFFFFF  }
0x9e: {  	s19 =	sld [smem:$0x3FDB];
	_ =	sdelay $0x1  }
0x9f: {  	s6 =	simm.s32 $_scs_section_size  }
0xa0: {  	s7 =	simm.s32 $_size__tile_overlayer_lowered;
	s8 =	simm.s32 $_tile_overlayer_lowered  }
0xa1: {  	s22 =	simm.s32 $0x1BFF;
	s21 =	sshll.u32 s8, $0x1;
	s5 =	sadd.s32 s6, s19  }
0xa2: {  	s9 =	simm.s32 $0x0;
	s20 =	sshll.u32 s7, $0x1;
	s7 =	sadd.s32 s21, s5  }
0xa3: {  	[timem:s9], [sflag:s22] =	dma.local [hbm:s7], s20  }
0xa4: {  	_ =	swait.ge [sflag:s22], s20  }
0xa5: {  	s6 =	ssub.s32 $0x0, s20;
	[sflag:s22] =	ssyncset.done $0x0  }
0xa6: {  	[sflag:s22] =	ssyncadd.s32 s6;
	_ =	sdelay $0x1  }
0xa7: {  	s23 =	simm.s32 $0x1B8B  }
0xa8: {  	_ =	swait.ge [sflag:s23], $0x1  }
0xa9: {  	[sflag:s23] =	ssyncset.done $0x0  }
0xaa: {  	s25 =	simm.s32 $0x1B8E;
	s24 =	sld [smem:$0x3FFE];
	[sflag:s23] =	ssyncadd.s32 $0xFFFFFFFF  }
0xab: {  	s26 =	simm.s32 $execute0_lowered;
	[smem:$0x3FD2] =	sst s25  }
0xac: {  	s7 =	sshll.u32 s26, $0x1;
	_ =	strace $0x80000046;
	[dreg:$0x1] =	wrdreg $0xFFFFFFFF  }
0xad: {  	s28 =	simm.s32 $_size_execute0_lowered;
	s5 =	sadd.s32 s5, s7;
	[dreg:$0x0] =	wrdreg $0x0  }
0xae: {  	s7 =	sshll.u32 s28, $0x1;
	[dreg:$0x2] =	wrdreg s5  }
0xaf: {  	[dreg:$0x3] =	wrdreg s7  }
0xb0: {  	[dreg:$0x4] =	wrdreg $0xC0  }
0xb1: {  	_ =	task [dreg:s9], $0x5FFFF  }
0xb2: {  	[dreg:$0x1] =	wrdreg $0xFFFFFFFF  }
0xb3: {  	[dreg:$0x0] =	wrdreg $0x60  }
0xb4: {  	[dreg:$0x2] =	wrdreg s15  }
0xb5: {  	[dreg:$0x3] =	wrdreg s24  }
0xb6: {  	[dreg:$0x4] =	wrdreg s16  }
0xb7: {  	[dreg:$0x5] =	wrdreg s17  }
0xb8: {  	[dreg:$0x6] =	wrdreg $0x9  }
0xb9: {  	_ =	task.clear_ibuf [dreg:s9], $0x7FFFF;
	_ =	strace $0x90000046  }
0xba: {  	s29 =	simm.s32 $0x9;
	_ =	strace $0x80000048  }
0xbb: {  	_ =	swait.ge [sflag:s29], $0x1  }
0xbc: {  	[sflag:s29] =	ssyncadd.s32 $0xFFFFFFFF  }
0xbd: {  	_ =	strace $0x90000048  }
0xbe: {  	_ =	sfence  }
0xbf: {  	s30 =	sld [smem:$0x0];
	_ =	sdelay $0x2  }
0xc0: {  	s31 =	sshll.u32 s1, $0xD;
	s1 =	sshrl.u32 s1, $0x2  }
0xc1: {  	s3 =	sand.u32 $0x4000, s31;
	s1 =	sadd.s32 s1, s30  }
0xc2: {  	s0 =	sor.u32 s3, s0;
	s1 =	sshll.u32 s1, $0x11  }
0xc3: {  	s0 =	sor.u32 s1, s0  }
0xc4: {  	s0 =	sadd.s32 $0x8F2B, s0  }
0xc5: {  	[sflag:s0] =	ssyncadd.remote.s32 $0x1  }
0xc6: {  	_ =	sfence.sel $0xFFFF  }
0xc7: {  	[dreg:$0x0] =	wrdreg $0xFFFFFFFF;
	(pc) =	sbr.abs _section_cstart, $3  }
0xc8: {  	[dreg:$0x1] =	wrdreg $0xFFFFFFFF  }
0xc9: {  	_ =	task.clear_ibuf [dreg:s9], $0x2FFFF;
	_ =	strace $0x9FFFFFFF  }
0xca: {  	(tm) =	ssettm $0x7FFFFFFF  }
0xcb: {  	_ =	shalt  }
tec
execute0_lowered:
.L_overlay_start_1:
0x0: {  	(tag) =	ssettag $0x1  }
0x1: {  	s3 =	rddreg [dreg:$0x0]  }
0x2: {  	s17 =	rddreg [dreg:$0x1]  }
0x3: {  	s20 =	rddreg [dreg:$0x2]  }
0x4: {  	s1 =	srdreg.scid;
	s0 =	stileid.u32  }
0x5: {  	s21 =	rddreg [dreg:$0x3];
	s22 =	sand.u32 $0x1, s1;
	s4 =	sshll.u32 s0, $0x1  }
0x6: {  	s2 =	simm.s32 $0x0;
	s1 =	rddreg [dreg:$0x4];
	s23 =	sor.u32 s22, s4  }
0x7: {  	[smem:$0x7FF] =	sst s2;
	s4 =	sshll.u32 s23, $0x4  }
0x8: {  	_ =	strace $0x80000047;
	s4 =	sadd.s32 s3, s4;
	s3 =	simm.s32 $0x2  }
0x9: {  	[tilespmem:s2], [sflag:$0x2] =	stream.linear.gather [hbm4b:s4+s2], $0x80, $0x38;
	[tilespmem:$0x400] =	vst v63  }
0xa: {  	_ =	swait.ge [sflag:s3], $0x80  }
0xb: {  	[sflag:s3] =	ssyncset.done $0x0  }
0xc: {  	s6 =	simm.s32 $0x80;
	s5 =	sadd.s32 $0x800, s17;
	[sflag:s3] =	ssyncadd.s32 $0xFFFFFF80  }
0xd: {  	[tilespmem:s6], [sflag:$0x1] =	stream.indirect.gather [hbm4b:s5+s6], $0x1, s2, s6, $0xb8;
	[tilespmem:$0x400] =	vst v63  }
0xe: {  	s8 =	simm.s32 $0x100;
	s7 =	sadd.s32 $0x38D4, s17  }
0xf: {  	[tilespmem:s8], [sflag:$0x1] =	stream.indirect.gather [hbm4b:s7+s6], $0x1, s2, s6, $0xb8;
	[tilespmem:$0x400] =	vst v63  }
0x10: {  	s10 =	simm.s32 $0x180;
	s9 =	sadd.s32 $0x69A8, s17  }
0x11: {  	[tilespmem:s10], [sflag:$0x1] =	stream.indirect.gather [hbm4b:s9+s6], $0x1, s2, s6, $0xb8;
	[tilespmem:$0x400] =	vst v63  }
0x12: {  	s12 =	simm.s32 $0x200;
	s11 =	sadd.s32 $0x9A7C, s17  }
0x13: {  	[tilespmem:s12], [sflag:$0x1] =	stream.indirect.gather [hbm4b:s11+s6], $0x1, s2, s6, $0xb8;
	[tilespmem:$0x400] =	vst v63  }
0x14: {  	s14 =	simm.s32 $0x280;
	s13 =	sadd.s32 $0xCB50, s17  }
0x15: {  	[tilespmem:s14], [sflag:$0x1] =	stream.indirect.gather [hbm4b:s13+s6], $0x1, s2, s6, $0xb8;
	[tilespmem:$0x400] =	vst v63  }
0x16: {  	s16 =	simm.s32 $0x300;
	s15 =	sadd.s32 $0xFC24, s17  }
0x17: {  	[tilespmem:s16], [sflag:$0x1] =	stream.indirect.gather [hbm4b:s15+s6], $0x1, s2, s6, $0xb8;
	[tilespmem:$0x400] =	vst v63  }
0x18: {  	s18 =	simm.s32 $0x380;
	s19 =	simm.s32 $0x1;
	s17 =	sadd.s32 $0x12CF8, s17  }
0x19: {  	[tilespmem:s18], [sflag:$0x1] =	stream.indirect.gather [hbm4b:s17+s6], $0x1, s2, s6, $0xb8;
	[tilespmem:$0x400] =	vst v63  }
0x1a: {  	_ =	swait.ge [sflag:s19], $0x80  }
0x1b: {  	[sflag:s19] =	ssyncset.done $0x0  }
0x1c: {  	[sflag:s19] =	ssyncadd.s32 $0xFFFFFF80  }
0x1d: {  	_ =	swait.ge [sflag:s19], $0x80  }
0x1e: {  	[sflag:s19] =	ssyncset.done $0x0  }
0x1f: {  	[sflag:s19] =	ssyncadd.s32 $0xFFFFFF80  }
0x20: {  	_ =	swait.ge [sflag:s19], $0x80  }
0x21: {  	[sflag:s19] =	ssyncset.done $0x0  }
0x22: {  	[sflag:s19] =	ssyncadd.s32 $0xFFFFFF80  }
0x23: {  	_ =	swait.ge [sflag:s19], $0x80  }
0x24: {  	s23 =	sshll.u32 s23, $0x6;
	[sflag:s19] =	ssyncset.done $0x0  }
0x25: {  	s20 =	sadd.s32 s20, s23;
	[sflag:s19] =	ssyncadd.s32 $0xFFFFFF80  }
0x26: {  	[hbm4b:s20+s2] =	stream.linear.scatter [tilespmem:s6], [sflag:$0x2], $0x200, $0x38;
	[tilespmem:$0x400] =	vst v63  }
0x27: {  	_ =	swait.ge [sflag:s3], $0x200  }
0x28: {  	[sflag:s3] =	ssyncset.done $0x0  }
0x29: {  	[sflag:s3] =	ssyncadd.s32 $0xFFFFFE00  }
0x2a: {  	_ =	swait.ge [sflag:s19], $0x80  }
0x2b: {  	[sflag:s19] =	ssyncset.done $0x0  }
0x2c: {  	s22 =	ssub.s32 $0x2, s22;
	[sflag:s19] =	ssyncadd.s32 $0xFFFFFF80  }
0x2d: {  	s24 =	sshrl.u32 s22, $0x1;
	_ =	swait.ge [sflag:s19], $0x80  }
0x2e: {  	s22 =	ssub.s32 s22, s24;
	[sflag:s19] =	ssyncset.done $0x0  }
0x2f: {  	s22 =	smax.u32 s22, $0x1;
	[sflag:s19] =	ssyncadd.s32 $0xFFFFFF80  }
0x30: {  	p0 =	sne.s32 s22, $0x1;
	_ =	swait.ge [sflag:s19], $0x80  }
.Ltmp0:
0x31: {  	[sflag:s19] =	ssyncset.done $0x0;
	(pc) =	sbr.rel @!p0 .LBB2_2-.Ltmp0, $4  }
0x32: {  	s21 =	sadd.s32 s21, s23;
	[sflag:s19] =	ssyncadd.s32 $0xFFFFFF80  }
0x33: {  	[hbm4b:s21+s2] =	stream.linear.scatter [tilespmem:s14], [sflag:$0x2], $0x180, $0x38;
	[tilespmem:$0x400] =	vst v63  }
0x34: {  	_ =	swait.ge [sflag:s3], $0x180  }
0x35: {  	s22 =	sadd.s32 $0xFFFFFFFF, s22;
	[sflag:s3] =	ssyncset.done $0x0  }
.LBB2_1:
0x36: {  	p0 =	sne.s32 s22, $0x1;
	s22 =	sadd.s32 $0xFFFFFFFF, s22;
	[sflag:s3] =	ssyncadd.s32 $0xFFFFFE80  }
0x37: {  	[tilespmem:s2], [sflag:$0x2] =	stream.linear.gather [hbm4b:s4+s2], $0x80, $0x38;
	[tilespmem:$0x400] =	vst v63  }
0x38: {  	_ =	swait.ge [sflag:s3], $0x80  }
0x39: {  	[sflag:s3] =	ssyncset.done $0x0  }
0x3a: {  	[sflag:s3] =	ssyncadd.s32 $0xFFFFFF80  }
0x3b: {  	[tilespmem:s6], [sflag:$0x1] =	stream.indirect.gather [hbm4b:s5+s6], $0x1, s2, s6, $0xb8;
	[tilespmem:$0x400] =	vst v63  }
0x3c: {  	_ = 	snop  }
0x3d: {  	[tilespmem:s8], [sflag:$0x1] =	stream.indirect.gather [hbm4b:s7+s6], $0x1, s2, s6, $0xb8;
	[tilespmem:$0x400] =	vst v63  }
0x3e: {  	_ = 	snop  }
0x3f: {  	[tilespmem:s10], [sflag:$0x1] =	stream.indirect.gather [hbm4b:s9+s6], $0x1, s2, s6, $0xb8;
	[tilespmem:$0x400] =	vst v63  }
0x40: {  	_ = 	snop  }
0x41: {  	[tilespmem:s12], [sflag:$0x1] =	stream.indirect.gather [hbm4b:s11+s6], $0x1, s2, s6, $0xb8;
	[tilespmem:$0x400] =	vst v63  }
0x42: {  	_ = 	snop  }
0x43: {  	[tilespmem:s14], [sflag:$0x1] =	stream.indirect.gather [hbm4b:s13+s6], $0x1, s2, s6, $0xb8;
	[tilespmem:$0x400] =	vst v63  }
0x44: {  	_ = 	snop  }
0x45: {  	[tilespmem:s16], [sflag:$0x1] =	stream.indirect.gather [hbm4b:s15+s6], $0x1, s2, s6, $0xb8;
	[tilespmem:$0x400] =	vst v63  }
0x46: {  	_ = 	snop  }
0x47: {  	[tilespmem:s18], [sflag:$0x1] =	stream.indirect.gather [hbm4b:s17+s6], $0x1, s2, s6, $0xb8;
	[tilespmem:$0x400] =	vst v63  }
0x48: {  	_ =	swait.ge [sflag:s19], $0x80  }
0x49: {  	[sflag:s19] =	ssyncset.done $0x0  }
0x4a: {  	[sflag:s19] =	ssyncadd.s32 $0xFFFFFF80  }
0x4b: {  	_ =	swait.ge [sflag:s19], $0x80  }
0x4c: {  	[sflag:s19] =	ssyncset.done $0x0  }
0x4d: {  	[sflag:s19] =	ssyncadd.s32 $0xFFFFFF80  }
0x4e: {  	_ =	swait.ge [sflag:s19], $0x80  }
0x4f: {  	[sflag:s19] =	ssyncset.done $0x0  }
0x50: {  	[sflag:s19] =	ssyncadd.s32 $0xFFFFFF80  }
0x51: {  	_ =	swait.ge [sflag:s19], $0x80  }
0x52: {  	[sflag:s19] =	ssyncset.done $0x0  }
0x53: {  	[sflag:s19] =	ssyncadd.s32 $0xFFFFFF80  }
0x54: {  	[hbm4b:s20+s2] =	stream.linear.scatter [tilespmem:s6], [sflag:$0x2], $0x200, $0x38;
	[tilespmem:$0x400] =	vst v63  }
0x55: {  	_ =	swait.ge [sflag:s3], $0x200  }
0x56: {  	[sflag:s3] =	ssyncset.done $0x0  }
0x57: {  	[sflag:s3] =	ssyncadd.s32 $0xFFFFFE00  }
0x58: {  	_ =	swait.ge [sflag:s19], $0x80  }
0x59: {  	[sflag:s19] =	ssyncset.done $0x0  }
0x5a: {  	[sflag:s19] =	ssyncadd.s32 $0xFFFFFF80  }
0x5b: {  	_ =	swait.ge [sflag:s19], $0x80  }
0x5c: {  	[sflag:s19] =	ssyncset.done $0x0  }
0x5d: {  	[sflag:s19] =	ssyncadd.s32 $0xFFFFFF80  }
0x5e: {  	_ =	swait.ge [sflag:s19], $0x80  }
.Ltmp1:
0x5f: {  	[sflag:s19] =	ssyncset.done $0x0;
	(pc) =	sbr.rel @p0 .LBB2_1-.Ltmp1, $4  }
0x60: {  	[sflag:s19] =	ssyncadd.s32 $0xFFFFFF80  }
0x61: {  	[hbm4b:s21+s2] =	stream.linear.scatter [tilespmem:s14], [sflag:$0x2], $0x180, $0x38;
	[tilespmem:$0x400] =	vst v63  }
0x62: {  	_ =	swait.ge [sflag:s3], $0x180  }
0x63: {  	[sflag:s3] =	ssyncset.done $0x0  }
.LBB2_2:
0x64: {  	[sflag:s3] =	ssyncadd.s32 $0xFFFFFE80  }
0x65: {  	_ =	sfence.sel $0x180000  }
0x66: {  	[bflag:$0x0] =	sbarrier.arrive $0xFFFF  }
0x67: {  	p0 =	sne.s32 s0, $0x0;
	_ =	strace $0x90000047  }
0x68: {  	s0 =	sadd.s32 @!p0 $0x100000, s1;
	[bflag:$0x2] =	sbarrier.arrive $0xFFFF  }
0x69: {  	[sflag:s0] =	ssyncadd.tile.s32 @!p0 $0x1;
	_ =	shalt  }
.Lfunc_end2:
_tile_overlayer_lowered:
.L_overlay_start_2:
0x6a: {  	(tag) =	ssettag $0x2  }
0x6b: {  	s0 =	rddreg [dreg:$0x0];
	s2 =	stileid.u32  }
0x6c: {  	s1 =	rddreg [dreg:$0x1];
	p0 =	sne.s32 s2, $0x0  }
0x6d: {  	s3 =	rddreg [dreg:$0x2];
	[bflag:$0x3] =	sbarrier.arrive $0xFFFF;
	s2 =	simm.s32 @!p0 $0x1C02  }
0x6e: {  	[timem:s3], [sflag:s2] =	dma.local @!p0 [hbm:s0], s1  }
0x6f: {  	s0 =	simm.s32 @!p0 $0x2  }
0x70: {  	_ =	swait.ge @!p0 [sflag:s0], s1  }
0x71: {  	s1 =	ssub.s32 @!p0 $0x0, s1;
	[sflag:s0] =	ssyncset.done @!p0 $0x0  }
0x72: {  	[sflag:s0] =	ssyncadd.s32 @!p0 s1  }
0x73: {  	[bflag:$0x3] =	sbarrier.arrive $0xFFFF  }
0x74: {  	_ =	shalt  }

</sc_bundles>
